<compile_context>
chip_gen: v7x
topology: tpu7x:2x2x1
jax: 0.10.2.dev20260603
libtpu: 0.0.44.dev20260713+nightly
codegen_flags: <defaults>
</compile_context>

<pallas_src>
import functools

import jax
import jax.numpy as jnp
from jax.experimental import pallas as pl
from jax.experimental.pallas import tpu as pltpu
from jax.experimental.pallas import tpu_sc as plsc

N_CTRL = 32


@functools.cache
def _make_kernel(B, D):
    rows_total = B * N_CTRL
    mesh = plsc.ScalarSubcoreMesh(axis_name="c", num_cores=1)

    @functools.partial(
        pl.kernel,
        mesh=mesh,
        out_type=jax.ShapeDtypeStruct((rows_total, D), jnp.float32),
        scratch_types=[
            pltpu.VMEM_SHARED((N_CTRL, D), jnp.float32),
            pltpu.SemaphoreType.DMA,
        ],
    )
    def seq_copy(table_hbm, out_hbm, spbuf, sem):
        pltpu.async_copy(table_hbm.at[pl.ds(0, N_CTRL), :], spbuf, sem).wait()
        copies = []
        for b in range(B):
            copies.append(pltpu.async_copy(
                spbuf, out_hbm.at[pl.ds(b * N_CTRL, N_CTRL), :], sem))
        for c in copies:
            c.wait()

    return seq_copy


def kernel(x, embed_table):
    B = x.shape[0]
    D = embed_table.shape[1]
    out_flat = _make_kernel(B, D)(embed_table)
    return out_flat.reshape(B, N_CTRL, D)

# --- scband reference (transcript-rebuilt; emitter-appended) ---
"""Pipeline reference for scband-positional-embedding-13821204759227 (READ-ONLY COPY).

The authoritative reference and input builder live on the scoring server;
editing this copy changes nothing except your own understanding.
"""

import jax, jax.numpy as jnp
import numpy as np

N_CTRL = 32
D_MODEL = 256
VOCAB = 50

def setup_inputs(seed: int = 0) -> dict:
    key = jax.random.key(seed)
    k1, k2 = jax.random.split(key)
    x = jax.random.normal(k1, (16, 576, 256), dtype=jnp.float32)
    embed_table = jax.random.normal(k2, (VOCAB, D_MODEL), dtype=jnp.float32) * 0.02
    return {"x": x, "embed_table": embed_table}

def reference(x, embed_table):
    b = x.shape[0]
    i = jnp.arange(N_CTRL)
    tgt = jnp.take(embed_table, i, axis=0)  # [n_controlpoints, d_model]
    # torch .repeat(b, 1, 1) tiles along a new leading batch dim
    out = jnp.tile(tgt[None, :, :], (b, 1, 1))
    return out

if __name__ == "__main__":
    import jax
    _d = setup_inputs()
    print(jax.jit(kernel)(*tuple(_d.values())))

</pallas_src>

<mosaic_0001>
#map = affine_map<(d0) -> (0, 0)>
module attributes {stable_mosaic.version = 14 : i64} {
  func.func @seq_copy(%arg0: i32, %arg1: memref<50x256xf32, #tpu.memory_space<hbm>>, %arg2: memref<512x256xf32, #tpu.memory_space<hbm>>, %arg3: memref<32x256xf32, #tpu.memory_space<vmem_shared>>, %arg4: memref<!tpu.dma_semaphore, #tpu.memory_space<semaphore_mem>>) attributes {dimension_semantics = [#tpu.dimension_semantics<core_parallel>], iteration_bounds = array<i64: 1>, scalar_prefetch = 0 : i64, scratch_operands = 2 : i64, tpu.core_type = #tpu.core_type<sc_scalar_subcore>, window_params = [{transform_indices = #map}, {transform_indices = #map}]} {
    %dma_start3A = arith.constant 0 : i32
    %dma_start3A_0 = arith.constant 0 : i32
    %dma_start3A_1 = tpu.memref_slice %arg1[%dma_start3A, %dma_start3A_0] : memref<50x256xf32, #tpu.memory_space<hbm>> -> memref<32x256xf32, #tpu.memory_space<hbm>>
    tpu.enqueue_dma source(%dma_start3A_1 : memref<32x256xf32, #tpu.memory_space<hbm>>) target(%arg3 : memref<32x256xf32, #tpu.memory_space<vmem_shared>>) target_semaphore(%arg4 : memref<!tpu.dma_semaphore, #tpu.memory_space<semaphore_mem>>)
    %dma_wait3A = arith.constant 0 : i32
    %dma_wait3A_2 = arith.constant 0 : i32
    %dma_wait3A_3 = tpu.memref_slice %arg1[%dma_wait3A, %dma_wait3A_2] : memref<50x256xf32, #tpu.memory_space<hbm>> -> memref<32x256xf32, #tpu.memory_space<hbm>>
    tpu.wait_dma2 semaphore(%arg4 : memref<!tpu.dma_semaphore, #tpu.memory_space<semaphore_mem>>) src(%dma_wait3A_3 : memref<32x256xf32, #tpu.memory_space<hbm>>) dst(%arg3 : memref<32x256xf32, #tpu.memory_space<vmem_shared>>)
    %dma_start3A_4 = arith.constant 0 : i32
    %dma_start3A_5 = arith.constant 0 : i32
    %dma_start3A_6 = tpu.memref_slice %arg2[%dma_start3A_4, %dma_start3A_5] : memref<512x256xf32, #tpu.memory_space<hbm>> -> memref<32x256xf32, #tpu.memory_space<hbm>>
    tpu.enqueue_dma source(%arg3 : memref<32x256xf32, #tpu.memory_space<vmem_shared>>) target(%dma_start3A_6 : memref<32x256xf32, #tpu.memory_space<hbm>>) target_semaphore(%arg4 : memref<!tpu.dma_semaphore, #tpu.memory_space<semaphore_mem>>)
    %dma_start3A_7 = arith.constant 32 : i32
    %dma_start3A_8 = arith.constant 0 : i32
    %dma_start3A_9 = tpu.memref_slice %arg2[%dma_start3A_7, %dma_start3A_8] : memref<512x256xf32, #tpu.memory_space<hbm>> -> memref<32x256xf32, #tpu.memory_space<hbm>>
    tpu.enqueue_dma source(%arg3 : memref<32x256xf32, #tpu.memory_space<vmem_shared>>) target(%dma_start3A_9 : memref<32x256xf32, #tpu.memory_space<hbm>>) target_semaphore(%arg4 : memref<!tpu.dma_semaphore, #tpu.memory_space<semaphore_mem>>)
    %dma_start3A_10 = arith.constant 64 : i32
    %dma_start3A_11 = arith.constant 0 : i32
    %dma_start3A_12 = tpu.memref_slice %arg2[%dma_start3A_10, %dma_start3A_11] : memref<512x256xf32, #tpu.memory_space<hbm>> -> memref<32x256xf32, #tpu.memory_space<hbm>>
    tpu.enqueue_dma source(%arg3 : memref<32x256xf32, #tpu.memory_space<vmem_shared>>) target(%dma_start3A_12 : memref<32x256xf32, #tpu.memory_space<hbm>>) target_semaphore(%arg4 : memref<!tpu.dma_semaphore, #tpu.memory_space<semaphore_mem>>)
    %dma_start3A_13 = arith.constant 96 : i32
    %dma_start3A_14 = arith.constant 0 : i32
    %dma_start3A_15 = tpu.memref_slice %arg2[%dma_start3A_13, %dma_start3A_14] : memref<512x256xf32, #tpu.memory_space<hbm>> -> memref<32x256xf32, #tpu.memory_space<hbm>>
    tpu.enqueue_dma source(%arg3 : memref<32x256xf32, #tpu.memory_space<vmem_shared>>) target(%dma_start3A_15 : memref<32x256xf32, #tpu.memory_space<hbm>>) target_semaphore(%arg4 : memref<!tpu.dma_semaphore, #tpu.memory_space<semaphore_mem>>)
    %dma_start3A_16 = arith.constant 128 : i32
    %dma_start3A_17 = arith.constant 0 : i32
    %dma_start3A_18 = tpu.memref_slice %arg2[%dma_start3A_16, %dma_start3A_17] : memref<512x256xf32, #tpu.memory_space<hbm>> -> memref<32x256xf32, #tpu.memory_space<hbm>>
    tpu.enqueue_dma source(%arg3 : memref<32x256xf32, #tpu.memory_space<vmem_shared>>) target(%dma_start3A_18 : memref<32x256xf32, #tpu.memory_space<hbm>>) target_semaphore(%arg4 : memref<!tpu.dma_semaphore, #tpu.memory_space<semaphore_mem>>)
    %dma_start3A_19 = arith.constant 160 : i32
    %dma_start3A_20 = arith.constant 0 : i32
    %dma_start3A_21 = tpu.memref_slice %arg2[%dma_start3A_19, %dma_start3A_20] : memref<512x256xf32, #tpu.memory_space<hbm>> -> memref<32x256xf32, #tpu.memory_space<hbm>>
    tpu.enqueue_dma source(%arg3 : memref<32x256xf32, #tpu.memory_space<vmem_shared>>) target(%dma_start3A_21 : memref<32x256xf32, #tpu.memory_space<hbm>>) target_semaphore(%arg4 : memref<!tpu.dma_semaphore, #tpu.memory_space<semaphore_mem>>)
    %dma_start3A_22 = arith.constant 192 : i32
    %dma_start3A_23 = arith.constant 0 : i32
    %dma_start3A_24 = tpu.memref_slice %arg2[%dma_start3A_22, %dma_start3A_23] : memref<512x256xf32, #tpu.memory_space<hbm>> -> memref<32x256xf32, #tpu.memory_space<hbm>>
    tpu.enqueue_dma source(%arg3 : memref<32x256xf32, #tpu.memory_space<vmem_shared>>) target(%dma_start3A_24 : memref<32x256xf32, #tpu.memory_space<hbm>>) target_semaphore(%arg4 : memref<!tpu.dma_semaphore, #tpu.memory_space<semaphore_mem>>)
    %dma_start3A_25 = arith.constant 224 : i32
    %dma_start3A_26 = arith.constant 0 : i32
    %dma_start3A_27 = tpu.memref_slice %arg2[%dma_start3A_25, %dma_start3A_26] : memref<512x256xf32, #tpu.memory_space<hbm>> -> memref<32x256xf32, #tpu.memory_space<hbm>>
    tpu.enqueue_dma source(%arg3 : memref<32x256xf32, #tpu.memory_space<vmem_shared>>) target(%dma_start3A_27 : memref<32x256xf32, #tpu.memory_space<hbm>>) target_semaphore(%arg4 : memref<!tpu.dma_semaphore, #tpu.memory_space<semaphore_mem>>)
    %dma_start3A_28 = arith.constant 256 : i32
    %dma_start3A_29 = arith.constant 0 : i32
    %dma_start3A_30 = tpu.memref_slice %arg2[%dma_start3A_28, %dma_start3A_29] : memref<512x256xf32, #tpu.memory_space<hbm>> -> memref<32x256xf32, #tpu.memory_space<hbm>>
    tpu.enqueue_dma source(%arg3 : memref<32x256xf32, #tpu.memory_space<vmem_shared>>) target(%dma_start3A_30 : memref<32x256xf32, #tpu.memory_space<hbm>>) target_semaphore(%arg4 : memref<!tpu.dma_semaphore, #tpu.memory_space<semaphore_mem>>)
    %dma_start3A_31 = arith.constant 288 : i32
    %dma_start3A_32 = arith.constant 0 : i32
    %dma_start3A_33 = tpu.memref_slice %arg2[%dma_start3A_31, %dma_start3A_32] : memref<512x256xf32, #tpu.memory_space<hbm>> -> memref<32x256xf32, #tpu.memory_space<hbm>>
    tpu.enqueue_dma source(%arg3 : memref<32x256xf32, #tpu.memory_space<vmem_shared>>) target(%dma_start3A_33 : memref<32x256xf32, #tpu.memory_space<hbm>>) target_semaphore(%arg4 : memref<!tpu.dma_semaphore, #tpu.memory_space<semaphore_mem>>)
    %dma_start3A_34 = arith.constant 320 : i32
    %dma_start3A_35 = arith.constant 0 : i32
    %dma_start3A_36 = tpu.memref_slice %arg2[%dma_start3A_34, %dma_start3A_35] : memref<512x256xf32, #tpu.memory_space<hbm>> -> memref<32x256xf32, #tpu.memory_space<hbm>>
    tpu.enqueue_dma source(%arg3 : memref<32x256xf32, #tpu.memory_space<vmem_shared>>) target(%dma_start3A_36 : memref<32x256xf32, #tpu.memory_space<hbm>>) target_semaphore(%arg4 : memref<!tpu.dma_semaphore, #tpu.memory_space<semaphore_mem>>)
    %dma_start3A_37 = arith.constant 352 : i32
    %dma_start3A_38 = arith.constant 0 : i32
    %dma_start3A_39 = tpu.memref_slice %arg2[%dma_start3A_37, %dma_start3A_38] : memref<512x256xf32, #tpu.memory_space<hbm>> -> memref<32x256xf32, #tpu.memory_space<hbm>>
    tpu.enqueue_dma source(%arg3 : memref<32x256xf32, #tpu.memory_space<vmem_shared>>) target(%dma_start3A_39 : memref<32x256xf32, #tpu.memory_space<hbm>>) target_semaphore(%arg4 : memref<!tpu.dma_semaphore, #tpu.memory_space<semaphore_mem>>)
    %dma_start3A_40 = arith.constant 384 : i32
    %dma_start3A_41 = arith.constant 0 : i32
    %dma_start3A_42 = tpu.memref_slice %arg2[%dma_start3A_40, %dma_start3A_41] : memref<512x256xf32, #tpu.memory_space<hbm>> -> memref<32x256xf32, #tpu.memory_space<hbm>>
    tpu.enqueue_dma source(%arg3 : memref<32x256xf32, #tpu.memory_space<vmem_shared>>) target(%dma_start3A_42 : memref<32x256xf32, #tpu.memory_space<hbm>>) target_semaphore(%arg4 : memref<!tpu.dma_semaphore, #tpu.memory_space<semaphore_mem>>)
    %dma_start3A_43 = arith.constant 416 : i32
    %dma_start3A_44 = arith.constant 0 : i32
    %dma_start3A_45 = tpu.memref_slice %arg2[%dma_start3A_43, %dma_start3A_44] : memref<512x256xf32, #tpu.memory_space<hbm>> -> memref<32x256xf32, #tpu.memory_space<hbm>>
    tpu.enqueue_dma source(%arg3 : memref<32x256xf32, #tpu.memory_space<vmem_shared>>) target(%dma_start3A_45 : memref<32x256xf32, #tpu.memory_space<hbm>>) target_semaphore(%arg4 : memref<!tpu.dma_semaphore, #tpu.memory_space<semaphore_mem>>)
    %dma_start3A_46 = arith.constant 448 : i32
    %dma_start3A_47 = arith.constant 0 : i32
    %dma_start3A_48 = tpu.memref_slice %arg2[%dma_start3A_46, %dma_start3A_47] : memref<512x256xf32, #tpu.memory_space<hbm>> -> memref<32x256xf32, #tpu.memory_space<hbm>>
    tpu.enqueue_dma source(%arg3 : memref<32x256xf32, #tpu.memory_space<vmem_shared>>) target(%dma_start3A_48 : memref<32x256xf32, #tpu.memory_space<hbm>>) target_semaphore(%arg4 : memref<!tpu.dma_semaphore, #tpu.memory_space<semaphore_mem>>)
    %dma_start3A_49 = arith.constant 480 : i32
    %dma_start3A_50 = arith.constant 0 : i32
    %dma_start3A_51 = tpu.memref_slice %arg2[%dma_start3A_49, %dma_start3A_50] : memref<512x256xf32, #tpu.memory_space<hbm>> -> memref<32x256xf32, #tpu.memory_space<hbm>>
    tpu.enqueue_dma source(%arg3 : memref<32x256xf32, #tpu.memory_space<vmem_shared>>) target(%dma_start3A_51 : memref<32x256xf32, #tpu.memory_space<hbm>>) target_semaphore(%arg4 : memref<!tpu.dma_semaphore, #tpu.memory_space<semaphore_mem>>)
    %dma_wait3A_52 = arith.constant 0 : i32
    %dma_wait3A_53 = arith.constant 0 : i32
    %dma_wait3A_54 = tpu.memref_slice %arg2[%dma_wait3A_52, %dma_wait3A_53] : memref<512x256xf32, #tpu.memory_space<hbm>> -> memref<32x256xf32, #tpu.memory_space<hbm>>
    tpu.wait_dma2 semaphore(%arg4 : memref<!tpu.dma_semaphore, #tpu.memory_space<semaphore_mem>>) src(%arg3 : memref<32x256xf32, #tpu.memory_space<vmem_shared>>) dst(%dma_wait3A_54 : memref<32x256xf32, #tpu.memory_space<hbm>>)
    %dma_wait3A_55 = arith.constant 32 : i32
    %dma_wait3A_56 = arith.constant 0 : i32
    %dma_wait3A_57 = tpu.memref_slice %arg2[%dma_wait3A_55, %dma_wait3A_56] : memref<512x256xf32, #tpu.memory_space<hbm>> -> memref<32x256xf32, #tpu.memory_space<hbm>>
    tpu.wait_dma2 semaphore(%arg4 : memref<!tpu.dma_semaphore, #tpu.memory_space<semaphore_mem>>) src(%arg3 : memref<32x256xf32, #tpu.memory_space<vmem_shared>>) dst(%dma_wait3A_57 : memref<32x256xf32, #tpu.memory_space<hbm>>)
    %dma_wait3A_58 = arith.constant 64 : i32
    %dma_wait3A_59 = arith.constant 0 : i32
    %dma_wait3A_60 = tpu.memref_slice %arg2[%dma_wait3A_58, %dma_wait3A_59] : memref<512x256xf32, #tpu.memory_space<hbm>> -> memref<32x256xf32, #tpu.memory_space<hbm>>
    tpu.wait_dma2 semaphore(%arg4 : memref<!tpu.dma_semaphore, #tpu.memory_space<semaphore_mem>>) src(%arg3 : memref<32x256xf32, #tpu.memory_space<vmem_shared>>) dst(%dma_wait3A_60 : memref<32x256xf32, #tpu.memory_space<hbm>>)
    %dma_wait3A_61 = arith.constant 96 : i32
    %dma_wait3A_62 = arith.constant 0 : i32
    %dma_wait3A_63 = tpu.memref_slice %arg2[%dma_wait3A_61, %dma_wait3A_62] : memref<512x256xf32, #tpu.memory_space<hbm>> -> memref<32x256xf32, #tpu.memory_space<hbm>>
    tpu.wait_dma2 semaphore(%arg4 : memref<!tpu.dma_semaphore, #tpu.memory_space<semaphore_mem>>) src(%arg3 : memref<32x256xf32, #tpu.memory_space<vmem_shared>>) dst(%dma_wait3A_63 : memref<32x256xf32, #tpu.memory_space<hbm>>)
    %dma_wait3A_64 = arith.constant 128 : i32
    %dma_wait3A_65 = arith.constant 0 : i32
    %dma_wait3A_66 = tpu.memref_slice %arg2[%dma_wait3A_64, %dma_wait3A_65] : memref<512x256xf32, #tpu.memory_space<hbm>> -> memref<32x256xf32, #tpu.memory_space<hbm>>
    tpu.wait_dma2 semaphore(%arg4 : memref<!tpu.dma_semaphore, #tpu.memory_space<semaphore_mem>>) src(%arg3 : memref<32x256xf32, #tpu.memory_space<vmem_shared>>) dst(%dma_wait3A_66 : memref<32x256xf32, #tpu.memory_space<hbm>>)
    %dma_wait3A_67 = arith.constant 160 : i32
    %dma_wait3A_68 = arith.constant 0 : i32
    %dma_wait3A_69 = tpu.memref_slice %arg2[%dma_wait3A_67, %dma_wait3A_68] : memref<512x256xf32, #tpu.memory_space<hbm>> -> memref<32x256xf32, #tpu.memory_space<hbm>>
    tpu.wait_dma2 semaphore(%arg4 : memref<!tpu.dma_semaphore, #tpu.memory_space<semaphore_mem>>) src(%arg3 : memref<32x256xf32, #tpu.memory_space<vmem_shared>>) dst(%dma_wait3A_69 : memref<32x256xf32, #tpu.memory_space<hbm>>)
    %dma_wait3A_70 = arith.constant 192 : i32
    %dma_wait3A_71 = arith.constant 0 : i32
    %dma_wait3A_72 = tpu.memref_slice %arg2[%dma_wait3A_70, %dma_wait3A_71] : memref<512x256xf32, #tpu.memory_space<hbm>> -> memref<32x256xf32, #tpu.memory_space<hbm>>
    tpu.wait_dma2 semaphore(%arg4 : memref<!tpu.dma_semaphore, #tpu.memory_space<semaphore_mem>>) src(%arg3 : memref<32x256xf32, #tpu.memory_space<vmem_shared>>) dst(%dma_wait3A_72 : memref<32x256xf32, #tpu.memory_space<hbm>>)
    %dma_wait3A_73 = arith.constant 224 : i32
    %dma_wait3A_74 = arith.constant 0 : i32
    %dma_wait3A_75 = tpu.memref_slice %arg2[%dma_wait3A_73, %dma_wait3A_74] : memref<512x256xf32, #tpu.memory_space<hbm>> -> memref<32x256xf32, #tpu.memory_space<hbm>>
    tpu.wait_dma2 semaphore(%arg4 : memref<!tpu.dma_semaphore, #tpu.memory_space<semaphore_mem>>) src(%arg3 : memref<32x256xf32, #tpu.memory_space<vmem_shared>>) dst(%dma_wait3A_75 : memref<32x256xf32, #tpu.memory_space<hbm>>)
    %dma_wait3A_76 = arith.constant 256 : i32
    %dma_wait3A_77 = arith.constant 0 : i32
    %dma_wait3A_78 = tpu.memref_slice %arg2[%dma_wait3A_76, %dma_wait3A_77] : memref<512x256xf32, #tpu.memory_space<hbm>> -> memref<32x256xf32, #tpu.memory_space<hbm>>
    tpu.wait_dma2 semaphore(%arg4 : memref<!tpu.dma_semaphore, #tpu.memory_space<semaphore_mem>>) src(%arg3 : memref<32x256xf32, #tpu.memory_space<vmem_shared>>) dst(%dma_wait3A_78 : memref<32x256xf32, #tpu.memory_space<hbm>>)
    %dma_wait3A_79 = arith.constant 288 : i32
    %dma_wait3A_80 = arith.constant 0 : i32
    %dma_wait3A_81 = tpu.memref_slice %arg2[%dma_wait3A_79, %dma_wait3A_80] : memref<512x256xf32, #tpu.memory_space<hbm>> -> memref<32x256xf32, #tpu.memory_space<hbm>>
    tpu.wait_dma2 semaphore(%arg4 : memref<!tpu.dma_semaphore, #tpu.memory_space<semaphore_mem>>) src(%arg3 : memref<32x256xf32, #tpu.memory_space<vmem_shared>>) dst(%dma_wait3A_81 : memref<32x256xf32, #tpu.memory_space<hbm>>)
    %dma_wait3A_82 = arith.constant 320 : i32
    %dma_wait3A_83 = arith.constant 0 : i32
    %dma_wait3A_84 = tpu.memref_slice %arg2[%dma_wait3A_82, %dma_wait3A_83] : memref<512x256xf32, #tpu.memory_space<hbm>> -> memref<32x256xf32, #tpu.memory_space<hbm>>
    tpu.wait_dma2 semaphore(%arg4 : memref<!tpu.dma_semaphore, #tpu.memory_space<semaphore_mem>>) src(%arg3 : memref<32x256xf32, #tpu.memory_space<vmem_shared>>) dst(%dma_wait3A_84 : memref<32x256xf32, #tpu.memory_space<hbm>>)
    %dma_wait3A_85 = arith.constant 352 : i32
    %dma_wait3A_86 = arith.constant 0 : i32
    %dma_wait3A_87 = tpu.memref_slice %arg2[%dma_wait3A_85, %dma_wait3A_86] : memref<512x256xf32, #tpu.memory_space<hbm>> -> memref<32x256xf32, #tpu.memory_space<hbm>>
    tpu.wait_dma2 semaphore(%arg4 : memref<!tpu.dma_semaphore, #tpu.memory_space<semaphore_mem>>) src(%arg3 : memref<32x256xf32, #tpu.memory_space<vmem_shared>>) dst(%dma_wait3A_87 : memref<32x256xf32, #tpu.memory_space<hbm>>)
    %dma_wait3A_88 = arith.constant 384 : i32
    %dma_wait3A_89 = arith.constant 0 : i32
    %dma_wait3A_90 = tpu.memref_slice %arg2[%dma_wait3A_88, %dma_wait3A_89] : memref<512x256xf32, #tpu.memory_space<hbm>> -> memref<32x256xf32, #tpu.memory_space<hbm>>
    tpu.wait_dma2 semaphore(%arg4 : memref<!tpu.dma_semaphore, #tpu.memory_space<semaphore_mem>>) src(%arg3 : memref<32x256xf32, #tpu.memory_space<vmem_shared>>) dst(%dma_wait3A_90 : memref<32x256xf32, #tpu.memory_space<hbm>>)
    %dma_wait3A_91 = arith.constant 416 : i32
    %dma_wait3A_92 = arith.constant 0 : i32
    %dma_wait3A_93 = tpu.memref_slice %arg2[%dma_wait3A_91, %dma_wait3A_92] : memref<512x256xf32, #tpu.memory_space<hbm>> -> memref<32x256xf32, #tpu.memory_space<hbm>>
    tpu.wait_dma2 semaphore(%arg4 : memref<!tpu.dma_semaphore, #tpu.memory_space<semaphore_mem>>) src(%arg3 : memref<32x256xf32, #tpu.memory_space<vmem_shared>>) dst(%dma_wait3A_93 : memref<32x256xf32, #tpu.memory_space<hbm>>)
    %dma_wait3A_94 = arith.constant 448 : i32
    %dma_wait3A_95 = arith.constant 0 : i32
    %dma_wait3A_96 = tpu.memref_slice %arg2[%dma_wait3A_94, %dma_wait3A_95] : memref<512x256xf32, #tpu.memory_space<hbm>> -> memref<32x256xf32, #tpu.memory_space<hbm>>
    tpu.wait_dma2 semaphore(%arg4 : memref<!tpu.dma_semaphore, #tpu.memory_space<semaphore_mem>>) src(%arg3 : memref<32x256xf32, #tpu.memory_space<vmem_shared>>) dst(%dma_wait3A_96 : memref<32x256xf32, #tpu.memory_space<hbm>>)
    %dma_wait3A_97 = arith.constant 480 : i32
    %dma_wait3A_98 = arith.constant 0 : i32
    %dma_wait3A_99 = tpu.memref_slice %arg2[%dma_wait3A_97, %dma_wait3A_98] : memref<512x256xf32, #tpu.memory_space<hbm>> -> memref<32x256xf32, #tpu.memory_space<hbm>>
    tpu.wait_dma2 semaphore(%arg4 : memref<!tpu.dma_semaphore, #tpu.memory_space<semaphore_mem>>) src(%arg3 : memref<32x256xf32, #tpu.memory_space<vmem_shared>>) dst(%dma_wait3A_99 : memref<32x256xf32, #tpu.memory_space<hbm>>)
    return
  }
}

</mosaic_0001>

<sc_bundles>
// kernel: kernel.3.cloned.1.call-start
scs
__scs_entry_jumppad:
0x0: {  	(pc) =	sbr.rel $0x88, $3  }
0x1: {  	(tag) =	ssettag $0x0;
	lr =	simm.s32 $0x1  }
0x2: {  	[smem:$0x3FA0] =	sst lr;
	_ =	strace $0xD0000000  }
0x3: {  	_ = 	snop  }
0x4: {  	_ = 	snop  }
0x5: {  	_ = 	snop  }
0x6: {  	_ = 	snop  }
0x7: {  	_ = 	snop  }
__scs_overlays_trampoline_lowered:
0x8: {  	[smem:$0x3FAF] =	sst s0  }
0x9: {  	[smem:$0x3FB0] =	sst s1  }
0xa: {  	[smem:$0x3FB1] =	sst s2  }
0xb: {  	[smem:$0x3FB2] =	sst s3  }
0xc: {  	[smem:$0x3FB3] =	sst s4  }
0xd: {  	[smem:$0x3FB4] =	sst s5  }
0xe: {  	[smem:$0x3FB5] =	sst s6  }
0xf: {  	[smem:$0x3FB6] =	sst s7  }
0x10: {  	[smem:$0x3FB7] =	sst s8  }
0x11: {  	[smem:$0x3FB8] =	sst s9;
	s0 =	simm.s32 @!p0 $0x0  }
0x12: {  	s1 =	sld [smem:$0x3F9E];
	s0 =	simm.s32 @p0 $0x1  }
0x13: {  	[smem:$0x3FB9] =	sst s0;
	s0 =	simm.s32 @!p1 $0x0  }
0x14: {  	s2 =	sld [smem:$0x3F9D];
	s0 =	simm.s32 @p1 $0x1  }
0x15: {  	[smem:$0x3FBA] =	sst s0;
	s0 =	simm.s32 @!p2 $0x0  }
0x16: {  	s3 =	sld [smem:$0x3FDB];
	s0 =	simm.s32 @p2 $0x1  }
0x17: {  	s4 =	simm.s32 $0x1BF5;
	[smem:$0x3FBC] =	sst s0  }
0x18: {  	s0 =	sld [smem:$0x3F9F];
	_ =	swait.ge [sflag:s4], $0x0  }
0x19: {  	s7 =	sld [smem:$0x3FA0]  }
0x1a: {  	s8 =	sadd.s32 $0xFFFFE003, lr  }
0x1b: {  	s9 =	sadd.s32 $0xFFFFFEF7, lr;
	s5 =	simm.s32 $0xFFFFFFFF;
	p2 =	slt.u32 s8, $0xFFFFF086  }
0x1c: {  	p1 =	slt.u32 s9, $0xF7A;
	s5 =	simm.s32 @!p2 $0x0  }
0x1d: {  	s5 =	simm.s32 @p1 $0x1;
	p0 =	seq.s32 s7, s2  }
0x1e: {  	s7 =	smul.u32 @!p0 $0xF7A, s2;
	p2 =	seq.s32 @!p0 s5, $0x0  }
0x1f: {  	s9 =	smul.u32 $0xF7A, s1;
	s8 =	simm.s32 @!p0 $0x1BF5;
	p2 =	por !p2, p0  }
0x20: {  	[sflag:s8] =	ssyncset.s32 @!p0 $0xFFFFF086;
	s6 =	sadd.s32 @!p0 s3, s7;
	s7 =	simm.s32 @!p0 $0x108  }
0x21: {  	s3 =	sadd.s32 s3, s9;
	s6 =	sadd.s32 @!p0 $0x88, s6;
	s7 =	simm.s32 @p2 $0x1082  }
0x22: {  	[simem:s7], [sflag:s8] =	dma.local @!p0 [hbm:s6], $0xF7A  }
0x23: {  	s9 =	sor.u32 $0xD0000000, s2;
	s6 =	simm.s32 $0x108;
	_ =	swait.ge @!p0 [sflag:s8], $0x0  }
0x24: {  	s3 =	sadd.s32 $0x88, s3;
	s6 =	simm.s32 @!p1 $0x1082;
	[sflag:s4] =	ssyncset.s32 $0xFFFFF086  }
0x25: {  	[simem:s6], [sflag:s4] =	dma.local [hbm:s3], $0xF7A  }
0x26: {  	[smem:$0x3FA0] =	sst s1;
	(tag) =	ssettag s2;
	_ =	strace s9  }
0x27: {  	s1 =	sld [smem:$0x3FB0]  }
0x28: {  	s2 =	sld [smem:$0x3FB1]  }
0x29: {  	s4 =	sld [smem:$0x3FB3]  }
0x2a: {  	p0 =	seq.s32 s5, $0x0;
	s5 =	sld [smem:$0x3FB4]  }
0x2b: {  	s6 =	sld [smem:$0x3FB5]  }
0x2c: {  	s7 =	sld [smem:$0x3FB6]  }
0x2d: {  	s3 =	simm.s32 $0x108;
	s8 =	sld [smem:$0x3FB7]  }
0x2e: {  	s3 =	simm.s32 @!p0 $0x1082;
	s9 =	sld [smem:$0x3FB8]  }
0x2f: {  	lr =	sadd.s32 s0, s3;
	s0 =	sld [smem:$0x3FAF]  }
0x30: {  	s3 =	sld [smem:$0x3FB2]  }
0x31: {  	[smem:$0x3FBB] =	sst s10  }
0x32: {  	s10 =	sld [smem:$0x3FB9];
	_ =	sdelay $0x3  }
0x33: {  	p0 =	seq.s32 s10, $0x1;
	s10 =	sld [smem:$0x3FBB];
	_ =	sdelay $0x3  }
0x34: {  	[smem:$0x3FBB] =	sst s10  }
0x35: {  	s10 =	sld [smem:$0x3FBA];
	_ =	sdelay $0x3  }
0x36: {  	p1 =	seq.s32 s10, $0x1;
	s10 =	sld [smem:$0x3FBB];
	_ =	sdelay $0x3  }
0x37: {  	[smem:$0x3FBB] =	sst s10  }
0x38: {  	s10 =	sld [smem:$0x3FBC]  }
0x39: {  	_ = 	snop;
	(pc) =	sbr.ind lr, $3  }
0x3a: {  	_ = 	snop  }
0x3b: {  	_ = 	snop  }
0x3c: {  	p2 =	seq.s32 s10, $0x1;
	s10 =	sld [smem:$0x3FBB]  }
0x3d: {  	_ =	shalt  }
0x3e: {  	_ =	shalt  }
0x3f: {  	_ =	shalt  }
0x40: {  	_ =	shalt  }
0x41: {  	_ =	shalt  }
0x42: {  	_ =	shalt  }
0x43: {  	_ =	shalt  }
0x44: {  	_ =	shalt  }
0x45: {  	_ =	shalt  }
0x46: {  	_ =	shalt  }
0x47: {  	_ =	shalt  }
0x48: {  	_ =	shalt  }
0x49: {  	_ =	shalt  }
0x4a: {  	_ =	shalt  }
0x4b: {  	_ =	shalt  }
0x4c: {  	_ =	shalt  }
0x4d: {  	_ =	shalt  }
0x4e: {  	_ =	shalt  }
0x4f: {  	_ =	shalt  }
0x50: {  	_ =	shalt  }
0x51: {  	_ =	shalt  }
0x52: {  	_ =	shalt  }
0x53: {  	_ =	shalt  }
0x54: {  	_ =	shalt  }
0x55: {  	_ =	shalt  }
0x56: {  	_ =	shalt  }
0x57: {  	_ =	shalt  }
0x58: {  	_ =	shalt  }
0x59: {  	_ =	shalt  }
0x5a: {  	_ =	shalt  }
0x5b: {  	_ =	shalt  }
0x5c: {  	_ =	shalt  }
0x5d: {  	_ =	shalt  }
0x5e: {  	_ =	shalt  }
0x5f: {  	_ =	shalt  }
0x60: {  	_ =	shalt  }
0x61: {  	_ =	shalt  }
0x62: {  	_ =	shalt  }
0x63: {  	_ =	shalt  }
0x64: {  	_ =	shalt  }
0x65: {  	_ =	shalt  }
0x66: {  	_ =	shalt  }
0x67: {  	_ =	shalt  }
0x68: {  	_ =	shalt  }
0x69: {  	_ =	shalt  }
0x6a: {  	_ =	shalt  }
0x6b: {  	_ =	shalt  }
0x6c: {  	_ =	shalt  }
0x6d: {  	_ =	shalt  }
0x6e: {  	_ =	shalt  }
0x6f: {  	_ =	shalt  }
0x70: {  	_ =	shalt  }
0x71: {  	_ =	shalt  }
0x72: {  	_ =	shalt  }
0x73: {  	_ =	shalt  }
0x74: {  	_ =	shalt  }
0x75: {  	_ =	shalt  }
0x76: {  	_ =	shalt  }
0x77: {  	_ =	shalt  }
0x78: {  	_ =	shalt  }
0x79: {  	_ =	shalt  }
0x7a: {  	_ =	shalt  }
0x7b: {  	_ =	shalt  }
0x7c: {  	_ =	shalt  }
0x7d: {  	_ =	shalt  }
0x7e: {  	_ =	shalt  }
0x7f: {  	_ =	shalt  }
0x80: {  	_ =	shalt  }
0x81: {  	_ =	shalt  }
0x82: {  	_ =	shalt  }
0x83: {  	_ =	shalt  }
0x84: {  	_ =	shalt  }
0x85: {  	_ =	shalt  }
0x86: {  	_ =	shalt  }
0x87: {  	_ =	shalt  }
.Lfunc_end0:
.L_simem_size_0:
called_computation_lowered:
.L_overlay_start_0:
0x88: {  	s0 =	sld [smem:$0x3FD9]  }
0x89: {  	s1 =	sld [smem:$0x3FFE];
	_ =	sdelay $0x3  }
0x8a: {  	s0 =	sadd.s32 s1, s0  }
0x8b: {  	s3 =	simm.s32 $0x0;
	[smem:$0x3FC7] =	sst s0  }
0x8c: {  	[smem:$0xF] =	sst s3  }
0x8d: {  	s7 =	sld [smem:$0x3FC9]  }
0x8e: {  	s2 =	sld [smem:$0x3FD0];
	(tm) =	ssettm $0x1  }
0x8f: {  	s8 =	sld [smem:$0x3FFB];
	_ =	sdelay $0x3  }
0x90: {  	_ =	strace s8  }
0x91: {  	s0 =	sld [smem:$0x3FFC];
	_ =	sdelay $0x3  }
0x92: {  	_ =	strace s0  }
0x93: {  	s0 =	sld [smem:$0x3FFD];
	_ =	sdelay $0x3  }
0x94: {  	_ =	strace s0  }
0x95: {  	s9 =	simm.s32 $0x1B8B;
	s10 =	simm.s32 $0x1B8E;
	_ =	strace $0x8FFFFFFF  }
0x96: {  	s11 =	simm.s32 $0x9;
	s12 =	sadd.s32 $0x400, s2;
	_ =	swait.ge [sflag:s9], $0x1  }
0x97: {  	s13 =	sadd.s32 $0x800, s2;
	s14 =	sadd.s32 $0xC00, s2;
	[sflag:s9] =	ssyncset.done $0x0  }
0x98: {  	s15 =	sadd.s32 $0x1000, s2;
	s16 =	sadd.s32 $0x1400, s2;
	[sflag:s9] =	ssyncadd.s32 $0xFFFFFFFF  }
0x99: {  	s17 =	sadd.s32 $0x1800, s2;
	s18 =	sadd.s32 $0x1C00, s2;
	[smem:$0x3FD2] =	sst s10  }
0x9a: {  	s19 =	sadd.s32 $0x2000, s2;
	s20 =	sadd.s32 $0x2400, s2;
	_ =	strace $0x80000046  }
0x9b: {  	[spmem:s3], [sflag:s11] =	dma.local [hbm:s7], $0x400  }
0x9c: {  	s21 =	sadd.s32 $0x2800, s2;
	s22 =	sadd.s32 $0x2C00, s2;
	_ =	swait.ge [sflag:s11], $0x400  }
0x9d: {  	s23 =	sadd.s32 $0x3000, s2;
	s24 =	sadd.s32 $0x3400, s2;
	[sflag:s11] =	ssyncset.done $0x0  }
0x9e: {  	s25 =	sadd.s32 $0x3800, s2;
	s26 =	sadd.s32 $0x3C00, s2;
	[sflag:s11] =	ssyncadd.s32 $0xFFFFFC00  }
0x9f: {  	[hbm:s2], [sflag:s11] =	dma.local [spmem:s3], $0x400  }
0xa0: {  	[hbm:s12], [sflag:s11] =	dma.local [spmem:s3], $0x400  }
0xa1: {  	[hbm:s13], [sflag:s11] =	dma.local [spmem:s3], $0x400  }
0xa2: {  	[hbm:s14], [sflag:s11] =	dma.local [spmem:s3], $0x400  }
0xa3: {  	[hbm:s15], [sflag:s11] =	dma.local [spmem:s3], $0x400  }
0xa4: {  	[hbm:s16], [sflag:s11] =	dma.local [spmem:s3], $0x400  }
0xa5: {  	[hbm:s17], [sflag:s11] =	dma.local [spmem:s3], $0x400  }
0xa6: {  	[hbm:s18], [sflag:s11] =	dma.local [spmem:s3], $0x400  }
0xa7: {  	[hbm:s19], [sflag:s11] =	dma.local [spmem:s3], $0x400  }
0xa8: {  	[hbm:s20], [sflag:s11] =	dma.local [spmem:s3], $0x400  }
0xa9: {  	[hbm:s21], [sflag:s11] =	dma.local [spmem:s3], $0x400  }
0xaa: {  	[hbm:s22], [sflag:s11] =	dma.local [spmem:s3], $0x400  }
0xab: {  	[hbm:s23], [sflag:s11] =	dma.local [spmem:s3], $0x400  }
0xac: {  	[hbm:s24], [sflag:s11] =	dma.local [spmem:s3], $0x400  }
0xad: {  	[hbm:s25], [sflag:s11] =	dma.local [spmem:s3], $0x400  }
0xae: {  	[hbm:s26], [sflag:s11] =	dma.local [spmem:s3], $0x400  }
0xaf: {  	_ =	swait.ge [sflag:s11], $0x400  }
0xb0: {  	[sflag:s11] =	ssyncset.done $0x0  }
0xb1: {  	[sflag:s11] =	ssyncadd.s32 $0xFFFFFC00;
	_ =	sdelay $0x2  }
0xb2: {  	_ =	swait.ge [sflag:s11], $0x400  }
0xb3: {  	[sflag:s11] =	ssyncset.done $0x0  }
0xb4: {  	[sflag:s11] =	ssyncadd.s32 $0xFFFFFC00;
	_ =	sdelay $0x2  }
0xb5: {  	_ =	swait.ge [sflag:s11], $0x400  }
0xb6: {  	[sflag:s11] =	ssyncset.done $0x0  }
0xb7: {  	[sflag:s11] =	ssyncadd.s32 $0xFFFFFC00;
	_ =	sdelay $0x2  }
0xb8: {  	_ =	swait.ge [sflag:s11], $0x400  }
0xb9: {  	[sflag:s11] =	ssyncset.done $0x0  }
0xba: {  	[sflag:s11] =	ssyncadd.s32 $0xFFFFFC00;
	_ =	sdelay $0x2  }
0xbb: {  	_ =	swait.ge [sflag:s11], $0x400  }
0xbc: {  	[sflag:s11] =	ssyncset.done $0x0  }
0xbd: {  	[sflag:s11] =	ssyncadd.s32 $0xFFFFFC00;
	_ =	sdelay $0x2  }
0xbe: {  	_ =	swait.ge [sflag:s11], $0x400  }
0xbf: {  	[sflag:s11] =	ssyncset.done $0x0  }
0xc0: {  	[sflag:s11] =	ssyncadd.s32 $0xFFFFFC00;
	_ =	sdelay $0x2  }
0xc1: {  	_ =	swait.ge [sflag:s11], $0x400  }
0xc2: {  	[sflag:s11] =	ssyncset.done $0x0  }
0xc3: {  	[sflag:s11] =	ssyncadd.s32 $0xFFFFFC00;
	_ =	sdelay $0x2  }
0xc4: {  	_ =	swait.ge [sflag:s11], $0x400  }
0xc5: {  	[sflag:s11] =	ssyncset.done $0x0  }
0xc6: {  	[sflag:s11] =	ssyncadd.s32 $0xFFFFFC00;
	_ =	sdelay $0x2  }
0xc7: {  	_ =	swait.ge [sflag:s11], $0x400  }
0xc8: {  	[sflag:s11] =	ssyncset.done $0x0  }
0xc9: {  	[sflag:s11] =	ssyncadd.s32 $0xFFFFFC00;
	_ =	sdelay $0x2  }
0xca: {  	_ =	swait.ge [sflag:s11], $0x400  }
0xcb: {  	[sflag:s11] =	ssyncset.done $0x0  }
0xcc: {  	[sflag:s11] =	ssyncadd.s32 $0xFFFFFC00;
	_ =	sdelay $0x2  }
0xcd: {  	_ =	swait.ge [sflag:s11], $0x400  }
0xce: {  	[sflag:s11] =	ssyncset.done $0x0  }
0xcf: {  	[sflag:s11] =	ssyncadd.s32 $0xFFFFFC00;
	_ =	sdelay $0x2  }
0xd0: {  	_ =	swait.ge [sflag:s11], $0x400  }
0xd1: {  	[sflag:s11] =	ssyncset.done $0x0  }
0xd2: {  	[sflag:s11] =	ssyncadd.s32 $0xFFFFFC00;
	_ =	sdelay $0x2  }
0xd3: {  	_ =	swait.ge [sflag:s11], $0x400  }
0xd4: {  	[sflag:s11] =	ssyncset.done $0x0  }
0xd5: {  	[sflag:s11] =	ssyncadd.s32 $0xFFFFFC00;
	_ =	sdelay $0x2  }
0xd6: {  	_ =	swait.ge [sflag:s11], $0x400  }
0xd7: {  	[sflag:s11] =	ssyncset.done $0x0  }
0xd8: {  	[sflag:s11] =	ssyncadd.s32 $0xFFFFFC00;
	_ =	sdelay $0x2  }
0xd9: {  	_ =	swait.ge [sflag:s11], $0x400  }
0xda: {  	[sflag:s11] =	ssyncset.done $0x0  }
0xdb: {  	[sflag:s11] =	ssyncadd.s32 $0xFFFFFC00;
	_ =	sdelay $0x2  }
0xdc: {  	_ =	swait.ge [sflag:s11], $0x400  }
0xdd: {  	[sflag:s11] =	ssyncset.done $0x0  }
0xde: {  	[sflag:s11] =	ssyncadd.s32 $0xFFFFFC00  }
0xdf: {  	_ =	strace $0x90000046  }
0xe0: {  	_ =	sfence  }
0xe1: {  	s28 =	sld [smem:$0x0];
	_ =	sdelay $0x1  }
0xe2: {  	s29 =	srdreg.scid  }
0xe3: {  	s30 =	sshll.u32 s29, $0xD;
	s31 =	sshrl.u32 s29, $0x2  }
0xe4: {  	s1 =	sand.u32 $0x1, s29;
	s2 =	sand.u32 $0x4000, s30;
	s0 =	sadd.s32 s31, s28  }
0xe5: {  	s1 =	sor.u32 s2, s1;
	s0 =	sshll.u32 s0, $0x11  }
0xe6: {  	s0 =	sor.u32 s0, s1  }
0xe7: {  	s0 =	sadd.s32 $0x8F2B, s0;
	(pc) =	sbr.abs _section_cstart, $3  }
0xe8: {  	[sflag:s0] =	ssyncadd.remote.s32 $0x1  }
0xe9: {  	_ =	strace $0x9FFFFFFF  }
0xea: {  	(tm) =	ssettm $0x7FFFFFFF  }
0xeb: {  	_ =	shalt  }

</sc_bundles>
